<compile_context>
chip_gen: v7x
topology: tpu7x:2x2x1
jax: 0.10.2.dev20260603
libtpu: 0.0.44.dev20260713+nightly
codegen_flags: <defaults>
</compile_context>

<pallas_src>
import dataclasses
import functools

import jax
import jax.numpy as jnp
from jax import lax
from jax.experimental import pallas as pl
from jax.experimental.pallas import tpu as pltpu
from jax.experimental.pallas import tpu_sc as plsc

_N = 10000
_E = 640000
_DA = 118
_DC = 3
_H = 128
_OUT = 100

_NPAD = 10240
_NC = 2
_NS = 16
_NW = _NC * _NS
_CH = 19968
_TAIL = _E - _NW * _CH
_L = 16

_sc_mesh = plsc.VectorSubcoreMesh(core_axis_name="c", subcore_axis_name="s")
_sc_params = pltpu.CompilerParams()
if "needs_layout_passes" in pltpu.CompilerParams.__dataclass_fields__:
    _sc_params = dataclasses.replace(_sc_params, needs_layout_passes=False)


@functools.partial(
    pl.kernel,
    out_type=jax.ShapeDtypeStruct((_NW + 8, _NPAD), jnp.int32),
    mesh=_sc_mesh,
    compiler_params=_sc_params,
    scratch_types=[
        pltpu.VMEM((_NPAD,), jnp.int32),
        pltpu.VMEM((_NPAD,), jnp.int32),
        pltpu.VMEM((2, _CH), jnp.int32),
        pltpu.VMEM((2, _TAIL), jnp.int32),
        pltpu.SemaphoreType.DMA,
        pltpu.SemaphoreType.DMA,
        pltpu.SemaphoreType.DMA,
    ],
)
def _sc_counts(ei_hbm, mask_hbm, out_hbm, mask_v, cnt_v, sd_v, tail_v,
               sem_m, sem_e, sem_t):
    wid = lax.axis_index("s") * _NC + lax.axis_index("c")
    base = wid * _CH
    cp_m = pltpu.async_copy(mask_hbm, mask_v.at[pl.ds(0, _N)], sem_m)
    cp_e = pltpu.async_copy(ei_hbm.at[pl.ds(0, 2), pl.ds(base, _CH)], sd_v,
                            sem_e)

    @pl.when(wid == 0)
    def _():
        pltpu.make_async_copy(ei_hbm.at[pl.ds(0, 2), pl.ds(_NW * _CH, _TAIL)],
                              tail_v, sem_t).start()

    @pl.loop(0, _NPAD, step=8 * _L)
    def _(i):
        for g in range(8):
            cnt_v[pl.ds(i + g * _L, _L)] = jnp.zeros((_L,), jnp.int32)

    cp_m.wait()
    cp_e.wait()

    @plsc.parallel_loop(0, _CH, step=_L, unroll=4)
    def _(e):
        d = sd_v[1, pl.ds(e, _L)]
        m = plsc.load_gather(mask_v, [d])
        s = sd_v[0, pl.ds(e, _L)]
        plsc.addupdate_scatter(cnt_v, [s], m)

    @pl.when(wid == 0)
    def _():
        pltpu.make_async_copy(ei_hbm.at[pl.ds(0, 2), pl.ds(_NW * _CH, _TAIL)],
                              tail_v, sem_t).wait()

        @plsc.parallel_loop(0, _TAIL, step=_L, unroll=8)
        def _(e):
            d = tail_v[1, pl.ds(e, _L)]
            m = plsc.load_gather(mask_v, [d])
            s = tail_v[0, pl.ds(e, _L)]
            plsc.addupdate_scatter(cnt_v, [s], m)

        @pl.loop(_N, _NPAD, step=_L)
        def _(i):
            mask_v[pl.ds(i, _L)] = jnp.zeros((_L,), jnp.int32)

        pltpu.sync_copy(mask_v, out_hbm.at[_NW])

    pltpu.sync_copy(cnt_v, out_hbm.at[wid])


def _tc_body(eps_ref, cnt_ref, a_ref, c_ref, wa_ref, ba_ref,
             wc_ref, bc_ref, wn_ref, bn_ref, wm_ref, bm_ref, out_ref):
    contract_last = (((1,), (1,)), ((), ()))
    rows = cnt_ref[...]
    cnt = jnp.sum(rows[:_NW], axis=0)[:_N].astype(jnp.float32)
    maskf = jnp.where(rows[_NW, :_N] != 0, 1.0, 0.0)
    v = (1.0 + eps_ref[0]) * maskf + cnt
    vb = v[None, :]
    sa = jnp.dot(vb, a_ref[...], preferred_element_type=jnp.float32)
    sc = jnp.dot(vb, c_ref[...], preferred_element_type=jnp.float32)
    s = jnp.sum(v)
    a = lax.dot_general(sa, wa_ref[...], contract_last,
                        preferred_element_type=jnp.float32,
                        precision=lax.Precision.HIGHEST) + s * ba_ref[...]
    c = lax.dot_general(sc, wc_ref[...], contract_last,
                        preferred_element_type=jnp.float32,
                        precision=lax.Precision.HIGHEST) + s * bc_ref[...]
    ac = jnp.concatenate([a, c], axis=1)
    f = lax.dot_general(ac, wn_ref[...], contract_last,
                        preferred_element_type=jnp.float32,
                        precision=lax.Precision.HIGHEST) + s * bn_ref[...]
    logits = lax.dot_general(f * (1.0 / _N), wm_ref[...], contract_last,
                             preferred_element_type=jnp.float32,
                             precision=lax.Precision.HIGHEST) + bm_ref[...]
    out_ref[...] = jax.nn.sigmoid(logits)


_tc_reduce = pl.pallas_call(
    _tc_body,
    grid=(1,),
    in_specs=[
        pl.BlockSpec(memory_space=pltpu.SMEM),
        pl.BlockSpec((_NW + 8, _NPAD), lambda i: (0, 0)),
        pl.BlockSpec((_N, _DA), lambda i: (0, 0)),
        pl.BlockSpec((_N, _DC), lambda i: (0, 0)),
        pl.BlockSpec((_H, _DA), lambda i: (0, 0)),
        pl.BlockSpec((1, _H), lambda i: (0, 0)),
        pl.BlockSpec((_H, _DC), lambda i: (0, 0)),
        pl.BlockSpec((1, _H), lambda i: (0, 0)),
        pl.BlockSpec((_H, 2 * _H), lambda i: (0, 0)),
        pl.BlockSpec((1, _H), lambda i: (0, 0)),
        pl.BlockSpec((_OUT, _H), lambda i: (0, 0)),
        pl.BlockSpec((1, _OUT), lambda i: (0, 0)),
    ],
    out_specs=pl.BlockSpec((1, _OUT), lambda i: (0, 0)),
    out_shape=jax.ShapeDtypeStruct((1, _OUT), jnp.float32),
)


def kernel(atomic_num, coord, abs_mask, edge_index, edge_length,
           W_atom, b_atom, W_coord, b_coord, W_node, b_node,
           exp_p, eps_layer, W_mlp, b_mlp):
    del edge_length, exp_p
    cnt = _sc_counts(edge_index, abs_mask)
    return _tc_reduce(
        eps_layer,
        cnt,
        atomic_num,
        coord,
        W_atom,
        b_atom[None, :],
        W_coord,
        b_coord[None, :],
        W_node,
        b_node[None, :],
        W_mlp,
        b_mlp[None, :],
    )

# --- scband reference (transcript-rebuilt; emitter-appended) ---
"""Pipeline reference for scband-xasstructure-72344429133897 (READ-ONLY COPY).

The authoritative reference and input builder live on the scoring server;
editing this copy changes nothing except your own understanding.
"""

import jax, jax.numpy as jnp
import numpy as np

N = 10000
E = 640000
D_ATOM = 118
D_COORD = 3
H = 128
OUT = 100  # XANES -> 100 spectrum points


def setup_inputs(seed: int = 0) -> dict:
    key = jax.random.key(seed)
    ks = jax.random.split(key, 16)
    inp = {}
    # graph node data
    inp["atomic_num"] = jax.random.uniform(ks[0], (N, D_ATOM), dtype=jnp.float32)
    inp["coord"] = jax.random.normal(ks[1], (N, D_COORD), dtype=jnp.float32)
    inp["abs_mask"] = jax.random.randint(ks[2], (N,), 0, 2, dtype=jnp.int32)
    # graph edge data
    inp["edge_index"] = jax.random.randint(ks[3], (2, E), 0, N, dtype=jnp.int32)
    # bond lengths strictly positive (avoid log(0))
    inp["edge_length"] = jax.random.uniform(ks[4], (E,), minval=0.5, maxval=2.0, dtype=jnp.float32)
    # learned parameters
    s = 0.05
    inp["W_atom"] = s * jax.random.normal(ks[5], (H, D_ATOM), dtype=jnp.float32)
    inp["b_atom"] = jnp.zeros((H,), dtype=jnp.float32)
    inp["W_coord"] = s * jax.random.normal(ks[6], (H, D_COORD), dtype=jnp.float32)
    inp["b_coord"] = jnp.zeros((H,), dtype=jnp.float32)
    inp["W_node"] = s * jax.random.normal(ks[7], (H, 2 * H), dtype=jnp.float32)
    inp["b_node"] = jnp.zeros((H,), dtype=jnp.float32)
    inp["exp_p"] = jnp.array([-2.0], dtype=jnp.float32)      # RRGraphConv.exp (learnable)
    inp["eps_layer"] = jnp.array([0.0], dtype=jnp.float32)   # RRGraphConv.eps (learnable)
    inp["W_mlp"] = s * jax.random.normal(ks[8], (OUT, H), dtype=jnp.float32)
    inp["b_mlp"] = jnp.zeros((OUT,), dtype=jnp.float32)
    return inp


def reference(atomic_num, coord, abs_mask, edge_index, edge_length,
              W_atom, b_atom, W_coord, b_coord, W_node, b_node,
              exp_p, eps_layer, W_mlp, b_mlp):
    # node embedding
    a = atomic_num @ W_atom.T + b_atom
    c = coord @ W_coord.T + b_coord
    h = jnp.concatenate([a, c], axis=-1) @ W_node.T + b_node  # [N, H]
    # single RRGraphConv layer (gnn_hidden_dims=[128,128] -> 1 layer, apply_func=None)
    src = edge_index[0]
    dst = edge_index[1]
    # faithful to torch: ones_like(exp(log(r) * exp_p)).view(-1,1) * src_feat
    w = jnp.ones_like(jnp.exp(jnp.log(edge_length) * exp_p[0])[:, None])  # [E, 1]
    msg = w * jnp.take(h, src, axis=0)                                    # [E, H] gather
    agg = jnp.zeros_like(h).at[dst].add(msg)                              # [N, H] scatter-add
    h = (1.0 + eps_layer[0]) * h + agg
    # zero out non-absorbing atoms
    h = jnp.where((abs_mask == 0)[:, None], 0.0, h)
    # dgl.sum_nodes over single graph, divided by num_nodes
    feature = jnp.sum(h, axis=0, keepdims=True) / N                       # [1, H]
    # MLP head (Linear -> Sigmoid)
    out = jax.nn.sigmoid(feature @ W_mlp.T + b_mlp)                       # [1, 100]
    return out

if __name__ == "__main__":
    import jax
    _d = setup_inputs()
    print(jax.jit(kernel)(*tuple(_d.values())))

</pallas_src>

<mosaic_0001>
#map = affine_map<(d0, d1) -> (0, 0)>
#map1 = affine_map<(d0, d1) -> (0)>
module attributes {stable_mosaic.version = 14 : i64} {
  func.func @_sc_counts(%arg0: i32, %arg1: i32, %arg2: memref<2x640000xi32, #tpu.memory_space<hbm>>, %arg3: memref<10000xi32, #tpu.memory_space<hbm>>, %arg4: memref<40x10240xi32, #tpu.memory_space<hbm>>, %arg5: memref<10240xi32, #tpu.memory_space<vmem>>, %arg6: memref<10240xi32, #tpu.memory_space<vmem>>, %arg7: memref<2x19968xi32, #tpu.memory_space<vmem>>, %arg8: memref<2x1024xi32, #tpu.memory_space<vmem>>, %arg9: memref<!tpu.dma_semaphore, #tpu.memory_space<semaphore_mem>>, %arg10: memref<!tpu.dma_semaphore, #tpu.memory_space<semaphore_mem>>, %arg11: memref<!tpu.dma_semaphore, #tpu.memory_space<semaphore_mem>>) attributes {dimension_semantics = [#tpu.dimension_semantics<core_parallel>, #tpu.dimension_semantics<subcore_parallel>], iteration_bounds = array<i64: 2, 16>, scalar_prefetch = 0 : i64, scratch_operands = 7 : i64, tpu.core_type = #tpu.core_type<sc_vector_subcore>, window_params = [{transform_indices = #map}, {transform_indices = #map1}, {transform_indices = #map}]} {
    %mul3A = arith.constant 2 : i32
    %mul3A_0 = arith.muli %arg1, %mul3A : i32
    %add3A = arith.addi %mul3A_0, %arg0 : i32
    %mul3A_1 = arith.constant 19968 : i32
    %mul3A_2 = arith.muli %add3A, %mul3A_1 : i32
    %dma_start3A = arith.constant 0 : i32
    %dma_start3A_3 = tpu.memref_slice %arg5[%dma_start3A] : memref<10240xi32, #tpu.memory_space<vmem>> -> memref<10000xi32, #tpu.memory_space<vmem>>
    %dma_start3A_4 = arith.constant 0 : i32
    %dma_start3A_5 = tpu.memref_slice %arg5[%dma_start3A_4] : memref<10240xi32, #tpu.memory_space<vmem>> -> memref<10000xi32, #tpu.memory_space<vmem>>
    tpu.enqueue_dma source(%arg3 : memref<10000xi32, #tpu.memory_space<hbm>>) target(%dma_start3A_5 : memref<10000xi32, #tpu.memory_space<vmem>>) target_semaphore(%arg9 : memref<!tpu.dma_semaphore, #tpu.memory_space<semaphore_mem>>)
    %dma_start3A_6 = arith.constant 0 : i32
    %dma_start3A_7 = tpu.memref_slice %arg2[%dma_start3A_6, %mul3A_2] : memref<2x640000xi32, #tpu.memory_space<hbm>> -> memref<2x19968xi32, #tpu.memory_space<hbm>>
    %dma_start3A_8 = arith.constant 0 : i32
    %dma_start3A_9 = tpu.memref_slice %arg2[%dma_start3A_8, %mul3A_2] : memref<2x640000xi32, #tpu.memory_space<hbm>> -> memref<2x19968xi32, #tpu.memory_space<hbm>>
    tpu.enqueue_dma source(%dma_start3A_9 : memref<2x19968xi32, #tpu.memory_space<hbm>>) target(%arg7 : memref<2x19968xi32, #tpu.memory_space<vmem>>) target_semaphore(%arg10 : memref<!tpu.dma_semaphore, #tpu.memory_space<semaphore_mem>>)
    %eq3A = arith.constant 0 : i32
    %eq3A_10 = arith.cmpi eq, %add3A, %eq3A : i32
    %convert_element_type3A = arith.extui %eq3A_10 : i1 to i32
    %cond3A = arith.constant 0 : i32
    %cond3A_11 = arith.cmpi ne, %convert_element_type3A, %cond3A : i32
    scf.if %cond3A_11 {
      %dma_start3A_30 = arith.constant 0 : i32
      %dma_start3A_31 = arith.constant 638976 : i32
      %dma_start3A_32 = tpu.memref_slice %arg2[%dma_start3A_30, %dma_start3A_31] : memref<2x640000xi32, #tpu.memory_space<hbm>> -> memref<2x1024xi32, #tpu.memory_space<hbm>>
      %dma_start3A_33 = arith.constant 0 : i32
      %dma_start3A_34 = arith.constant 638976 : i32
      %dma_start3A_35 = tpu.memref_slice %arg2[%dma_start3A_33, %dma_start3A_34] : memref<2x640000xi32, #tpu.memory_space<hbm>> -> memref<2x1024xi32, #tpu.memory_space<hbm>>
      tpu.enqueue_dma source(%dma_start3A_35 : memref<2x1024xi32, #tpu.memory_space<hbm>>) target(%arg8 : memref<2x1024xi32, #tpu.memory_space<vmem>>) target_semaphore(%arg11 : memref<!tpu.dma_semaphore, #tpu.memory_space<semaphore_mem>>)
    } else {
    }
    %scan3A = arith.constant 0 : i32
    %scan3A_12 = arith.constant 80 : i32
    %scan3A_13 = arith.addi %scan3A, %scan3A_12 : i32
    %scan3A_14 = arith.constant 1 : i32
    scf.for %scan3A_30 = %scan3A to %scan3A_13 step %scan3A_14  : i32 {
      %mul3A_31 = arith.constant 128 : i32
      %mul3A_32 = arith.muli %scan3A_30, %mul3A_31 : i32
      %add3A_33 = arith.constant 0 : i32
      %add3A_34 = arith.addi %add3A_33, %mul3A_32 : i32
      %broadcast_in_dim3A = arith.constant 0 : i32
      %broadcast_in_dim3A_35 = vector.broadcast %broadcast_in_dim3A : i32 to vector<16xi32>
      %add3A_36 = arith.constant 0 : i32
      %add3A_37 = arith.addi %add3A_34, %add3A_36 : i32
      %swap3A = arith.index_cast %add3A_37 : i32 to index
      %swap3A_38 = tpu.vector_load %arg6[%swap3A] {strides = array<i32>} : memref<10240xi32, #tpu.memory_space<vmem>>, vector<16xi32>,
      tpu.vector_store %arg6[%swap3A], %broadcast_in_dim3A_35 {strides = array<i32>} : memref<10240xi32, #tpu.memory_space<vmem>>, vector<16xi32>,
      %broadcast_in_dim3A_39 = arith.constant 0 : i32
      %broadcast_in_dim3A_40 = vector.broadcast %broadcast_in_dim3A_39 : i32 to vector<16xi32>
      %add3A_41 = arith.constant 16 : i32
      %add3A_42 = arith.addi %add3A_34, %add3A_41 : i32
      %swap3A_43 = arith.index_cast %add3A_42 : i32 to index
      %swap3A_44 = tpu.vector_load %arg6[%swap3A_43] {strides = array<i32>} : memref<10240xi32, #tpu.memory_space<vmem>>, vector<16xi32>,
      tpu.vector_store %arg6[%swap3A_43], %broadcast_in_dim3A_40 {strides = array<i32>} : memref<10240xi32, #tpu.memory_space<vmem>>, vector<16xi32>,
      %broadcast_in_dim3A_45 = arith.constant 0 : i32
      %broadcast_in_dim3A_46 = vector.broadcast %broadcast_in_dim3A_45 : i32 to vector<16xi32>
      %add3A_47 = arith.constant 32 : i32
      %add3A_48 = arith.addi %add3A_34, %add3A_47 : i32
      %swap3A_49 = arith.index_cast %add3A_48 : i32 to index
      %swap3A_50 = tpu.vector_load %arg6[%swap3A_49] {strides = array<i32>} : memref<10240xi32, #tpu.memory_space<vmem>>, vector<16xi32>,
      tpu.vector_store %arg6[%swap3A_49], %broadcast_in_dim3A_46 {strides = array<i32>} : memref<10240xi32, #tpu.memory_space<vmem>>, vector<16xi32>,
      %broadcast_in_dim3A_51 = arith.constant 0 : i32
      %broadcast_in_dim3A_52 = vector.broadcast %broadcast_in_dim3A_51 : i32 to vector<16xi32>
      %add3A_53 = arith.constant 48 : i32
      %add3A_54 = arith.addi %add3A_34, %add3A_53 : i32
      %swap3A_55 = arith.index_cast %add3A_54 : i32 to index
      %swap3A_56 = tpu.vector_load %arg6[%swap3A_55] {strides = array<i32>} : memref<10240xi32, #tpu.memory_space<vmem>>, vector<16xi32>,
      tpu.vector_store %arg6[%swap3A_55], %broadcast_in_dim3A_52 {strides = array<i32>} : memref<10240xi32, #tpu.memory_space<vmem>>, vector<16xi32>,
      %broadcast_in_dim3A_57 = arith.constant 0 : i32
      %broadcast_in_dim3A_58 = vector.broadcast %broadcast_in_dim3A_57 : i32 to vector<16xi32>
      %add3A_59 = arith.constant 64 : i32
      %add3A_60 = arith.addi %add3A_34, %add3A_59 : i32
      %swap3A_61 = arith.index_cast %add3A_60 : i32 to index
      %swap3A_62 = tpu.vector_load %arg6[%swap3A_61] {strides = array<i32>} : memref<10240xi32, #tpu.memory_space<vmem>>, vector<16xi32>,
      tpu.vector_store %arg6[%swap3A_61], %broadcast_in_dim3A_58 {strides = array<i32>} : memref<10240xi32, #tpu.memory_space<vmem>>, vector<16xi32>,
      %broadcast_in_dim3A_63 = arith.constant 0 : i32
      %broadcast_in_dim3A_64 = vector.broadcast %broadcast_in_dim3A_63 : i32 to vector<16xi32>
      %add3A_65 = arith.constant 80 : i32
      %add3A_66 = arith.addi %add3A_34, %add3A_65 : i32
      %swap3A_67 = arith.index_cast %add3A_66 : i32 to index
      %swap3A_68 = tpu.vector_load %arg6[%swap3A_67] {strides = array<i32>} : memref<10240xi32, #tpu.memory_space<vmem>>, vector<16xi32>,
      tpu.vector_store %arg6[%swap3A_67], %broadcast_in_dim3A_64 {strides = array<i32>} : memref<10240xi32, #tpu.memory_space<vmem>>, vector<16xi32>,
      %broadcast_in_dim3A_69 = arith.constant 0 : i32
      %broadcast_in_dim3A_70 = vector.broadcast %broadcast_in_dim3A_69 : i32 to vector<16xi32>
      %add3A_71 = arith.constant 96 : i32
      %add3A_72 = arith.addi %add3A_34, %add3A_71 : i32
      %swap3A_73 = arith.index_cast %add3A_72 : i32 to index
      %swap3A_74 = tpu.vector_load %arg6[%swap3A_73] {strides = array<i32>} : memref<10240xi32, #tpu.memory_space<vmem>>, vector<16xi32>,
      tpu.vector_store %arg6[%swap3A_73], %broadcast_in_dim3A_70 {strides = array<i32>} : memref<10240xi32, #tpu.memory_space<vmem>>, vector<16xi32>,
      %broadcast_in_dim3A_75 = arith.constant 0 : i32
      %broadcast_in_dim3A_76 = vector.broadcast %broadcast_in_dim3A_75 : i32 to vector<16xi32>
      %add3A_77 = arith.constant 112 : i32
      %add3A_78 = arith.addi %add3A_34, %add3A_77 : i32
      %swap3A_79 = arith.index_cast %add3A_78 : i32 to index
      %swap3A_80 = tpu.vector_load %arg6[%swap3A_79] {strides = array<i32>} : memref<10240xi32, #tpu.memory_space<vmem>>, vector<16xi32>,
      tpu.vector_store %arg6[%swap3A_79], %broadcast_in_dim3A_76 {strides = array<i32>} : memref<10240xi32, #tpu.memory_space<vmem>>, vector<16xi32>,
    }
    %scan3A_15 = arith.constant 80 : i32
    %dma_wait3A = arith.constant 0 : i32
    %dma_wait3A_16 = tpu.memref_slice %arg5[%dma_wait3A] : memref<10240xi32, #tpu.memory_space<vmem>> -> memref<10000xi32, #tpu.memory_space<vmem>>
    %dma_wait3A_17 = arith.constant 0 : i32
    %dma_wait3A_18 = tpu.memref_slice %arg5[%dma_wait3A_17] : memref<10240xi32, #tpu.memory_space<vmem>> -> memref<10000xi32, #tpu.memory_space<vmem>>
    tpu.wait_dma2 semaphore(%arg9 : memref<!tpu.dma_semaphore, #tpu.memory_space<semaphore_mem>>) src(%arg3 : memref<10000xi32, #tpu.memory_space<hbm>>) dst(%dma_wait3A_18 : memref<10000xi32, #tpu.memory_space<vmem>>)
    %dma_wait3A_19 = arith.constant 0 : i32
    %dma_wait3A_20 = tpu.memref_slice %arg2[%dma_wait3A_19, %mul3A_2] : memref<2x640000xi32, #tpu.memory_space<hbm>> -> memref<2x19968xi32, #tpu.memory_space<hbm>>
    %dma_wait3A_21 = arith.constant 0 : i32
    %dma_wait3A_22 = tpu.memref_slice %arg2[%dma_wait3A_21, %mul3A_2] : memref<2x640000xi32, #tpu.memory_space<hbm>> -> memref<2x19968xi32, #tpu.memory_space<hbm>>
    tpu.wait_dma2 semaphore(%arg10 : memref<!tpu.dma_semaphore, #tpu.memory_space<semaphore_mem>>) src(%dma_wait3A_22 : memref<2x19968xi32, #tpu.memory_space<hbm>>) dst(%arg7 : memref<2x19968xi32, #tpu.memory_space<vmem>>)
    %parallel_loop3A = arith.constant 0 : i32
    %parallel_loop3A_23 = arith.constant 19968 : i32
    %parallel_loop3A_24 = arith.constant 16 : i32
    scf.for %parallel_loop3A_30 = %parallel_loop3A to %parallel_loop3A_23 step %parallel_loop3A_24  : i32 {
      %parallel_loop3A_31 = arith.constant 1 : i32
      %parallel_loop3A_32 = arith.index_cast %parallel_loop3A_31 : i32 to index
      %parallel_loop3A_33 = arith.index_cast %parallel_loop3A_30 : i32 to index
      %parallel_loop3A_34 = tpu.vector_load %arg7[%parallel_loop3A_32, %parallel_loop3A_33] {strides = array<i32>} : memref<2x19968xi32, #tpu.memory_space<vmem>>, vector<16xi32>,
      %parallel_loop3A_35 = tpu.vector_load_idx %arg5[%parallel_loop3A_34] : memref<10240xi32, #tpu.memory_space<vmem>>[vector<16xi32>], vector<16xi32>,
      %parallel_loop3A_36 = arith.constant 0 : i32
      %parallel_loop3A_37 = arith.index_cast %parallel_loop3A_36 : i32 to index
      %parallel_loop3A_38 = arith.index_cast %parallel_loop3A_30 : i32 to index
      %parallel_loop3A_39 = tpu.vector_load %arg7[%parallel_loop3A_37, %parallel_loop3A_38] {strides = array<i32>} : memref<2x19968xi32, #tpu.memory_space<vmem>>, vector<16xi32>,
      tpu.vector_store_idx %arg6[%parallel_loop3A_39], %parallel_loop3A_35 {add = true} : memref<10240xi32, #tpu.memory_space<vmem>>[vector<16xi32>], vector<16xi32>,
    } {sc.loop_unroll_factor = 4 : i64, sc.parallel_access}
    %eq3A_25 = arith.constant 0 : i32
    %eq3A_26 = arith.cmpi eq, %add3A, %eq3A_25 : i32
    %convert_element_type3A_27 = arith.extui %eq3A_26 : i1 to i32
    %cond3A_28 = arith.constant 0 : i32
    %cond3A_29 = arith.cmpi ne, %convert_element_type3A_27, %cond3A_28 : i32
    scf.if %cond3A_29 {
      %dma_wait3A_30 = arith.constant 0 : i32
      %dma_wait3A_31 = arith.constant 638976 : i32
      %dma_wait3A_32 = tpu.memref_slice %arg2[%dma_wait3A_30, %dma_wait3A_31] : memref<2x640000xi32, #tpu.memory_space<hbm>> -> memref<2x1024xi32, #tpu.memory_space<hbm>>
      %dma_wait3A_33 = arith.constant 0 : i32
      %dma_wait3A_34 = arith.constant 638976 : i32
      %dma_wait3A_35 = tpu.memref_slice %arg2[%dma_wait3A_33, %dma_wait3A_34] : memref<2x640000xi32, #tpu.memory_space<hbm>> -> memref<2x1024xi32, #tpu.memory_space<hbm>>
      tpu.wait_dma2 semaphore(%arg11 : memref<!tpu.dma_semaphore, #tpu.memory_space<semaphore_mem>>) src(%dma_wait3A_35 : memref<2x1024xi32, #tpu.memory_space<hbm>>) dst(%arg8 : memref<2x1024xi32, #tpu.memory_space<vmem>>)
      %parallel_loop3A_36 = arith.constant 0 : i32
      %parallel_loop3A_37 = arith.constant 1024 : i32
      %parallel_loop3A_38 = arith.constant 16 : i32
      scf.for %parallel_loop3A_44 = %parallel_loop3A_36 to %parallel_loop3A_37 step %parallel_loop3A_38  : i32 {
        %parallel_loop3A_45 = arith.constant 1 : i32
        %parallel_loop3A_46 = arith.index_cast %parallel_loop3A_45 : i32 to index
        %parallel_loop3A_47 = arith.index_cast %parallel_loop3A_44 : i32 to index
        %parallel_loop3A_48 = tpu.vector_load %arg8[%parallel_loop3A_46, %parallel_loop3A_47] {strides = array<i32>} : memref<2x1024xi32, #tpu.memory_space<vmem>>, vector<16xi32>,
        %parallel_loop3A_49 = tpu.vector_load_idx %arg5[%parallel_loop3A_48] : memref<10240xi32, #tpu.memory_space<vmem>>[vector<16xi32>], vector<16xi32>,
        %parallel_loop3A_50 = arith.constant 0 : i32
        %parallel_loop3A_51 = arith.index_cast %parallel_loop3A_50 : i32 to index
        %parallel_loop3A_52 = arith.index_cast %parallel_loop3A_44 : i32 to index
        %parallel_loop3A_53 = tpu.vector_load %arg8[%parallel_loop3A_51, %parallel_loop3A_52] {strides = array<i32>} : memref<2x1024xi32, #tpu.memory_space<vmem>>, vector<16xi32>,
        tpu.vector_store_idx %arg6[%parallel_loop3A_53], %parallel_loop3A_49 {add = true} : memref<10240xi32, #tpu.memory_space<vmem>>[vector<16xi32>], vector<16xi32>,
      } {sc.loop_unroll_factor = 8 : i64, sc.parallel_access}
      %scan3A_39 = arith.constant 0 : i32
      %scan3A_40 = arith.constant 15 : i32
      %scan3A_41 = arith.addi %scan3A_39, %scan3A_40 : i32
      %scan3A_42 = arith.constant 1 : i32
      scf.for %scan3A_44 = %scan3A_39 to %scan3A_41 step %scan3A_42  : i32 {
        %mul3A_45 = arith.constant 16 : i32
        %mul3A_46 = arith.muli %scan3A_44, %mul3A_45 : i32
        %add3A_47 = arith.constant 10000 : i32
        %add3A_48 = arith.addi %add3A_47, %mul3A_46 : i32
        %broadcast_in_dim3A = arith.constant 0 : i32
        %broadcast_in_dim3A_49 = vector.broadcast %broadcast_in_dim3A : i32 to vector<16xi32>
        %swap3A = arith.index_cast %add3A_48 : i32 to index
        %swap3A_50 = tpu.vector_load %arg5[%swap3A] {strides = array<i32>} : memref<10240xi32, #tpu.memory_space<vmem>>, vector<16xi32>,
        tpu.vector_store %arg5[%swap3A], %broadcast_in_dim3A_49 {strides = array<i32>} : memref<10240xi32, #tpu.memory_space<vmem>>, vector<16xi32>,
      }
      %scan3A_43 = arith.constant 15 : i32
      %run_scoped3A = arith.constant 32 : i32
      "tpu.region"() ({
        %run_scoped3A_44 = tpu.sem_alloc : memref<!tpu.dma_semaphore, #tpu.memory_space<semaphore_mem>>
        %dma_start3A_45 = arith.constant 0 : i32
        %dma_start3A_46 = tpu.memref_slice %arg4[%run_scoped3A, %dma_start3A_45] : memref<40x10240xi32, #tpu.memory_space<hbm>> -> memref<1x10240xi32, #tpu.memory_space<hbm>>
        %dma_start3A_47 = tpu.memref_squeeze %dma_start3A_46 : memref<1x10240xi32, #tpu.memory_space<hbm>> -> memref<10240xi32, #tpu.memory_space<hbm>>
        %dma_start3A_48 = arith.constant 0 : i32
        %dma_start3A_49 = tpu.memref_slice %arg4[%run_scoped3A, %dma_start3A_48] : memref<40x10240xi32, #tpu.memory_space<hbm>> -> memref<1x10240xi32, #tpu.memory_space<hbm>>
        %dma_start3A_50 = tpu.memref_squeeze %dma_start3A_49 : memref<1x10240xi32, #tpu.memory_space<hbm>> -> memref<10240xi32, #tpu.memory_space<hbm>>
        tpu.enqueue_dma source(%arg5 : memref<10240xi32, #tpu.memory_space<vmem>>) target(%dma_start3A_50 : memref<10240xi32, #tpu.memory_space<hbm>>) target_semaphore(%run_scoped3A_44 : memref<!tpu.dma_semaphore, #tpu.memory_space<semaphore_mem>>)
        %dma_wait3A_51 = arith.constant 0 : i32
        %dma_wait3A_52 = tpu.memref_slice %arg4[%run_scoped3A, %dma_wait3A_51] : memref<40x10240xi32, #tpu.memory_space<hbm>> -> memref<1x10240xi32, #tpu.memory_space<hbm>>
        %dma_wait3A_53 = tpu.memref_squeeze %dma_wait3A_52 : memref<1x10240xi32, #tpu.memory_space<hbm>> -> memref<10240xi32, #tpu.memory_space<hbm>>
        %dma_wait3A_54 = arith.constant 0 : i32
        %dma_wait3A_55 = tpu.memref_slice %arg4[%run_scoped3A, %dma_wait3A_54] : memref<40x10240xi32, #tpu.memory_space<hbm>> -> memref<1x10240xi32, #tpu.memory_space<hbm>>
        %dma_wait3A_56 = tpu.memref_squeeze %dma_wait3A_55 : memref<1x10240xi32, #tpu.memory_space<hbm>> -> memref<10240xi32, #tpu.memory_space<hbm>>
        tpu.wait_dma2 semaphore(%run_scoped3A_44 : memref<!tpu.dma_semaphore, #tpu.memory_space<semaphore_mem>>) src(%arg5 : memref<10240xi32, #tpu.memory_space<vmem>>) dst(%dma_wait3A_56 : memref<10240xi32, #tpu.memory_space<hbm>>)
        tpu.yield
      }) : () -> ()
    } else {
    }
    "tpu.region"() ({
      %run_scoped3A = tpu.sem_alloc : memref<!tpu.dma_semaphore, #tpu.memory_space<semaphore_mem>>
      %dma_start3A_30 = arith.constant 0 : i32
      %dma_start3A_31 = tpu.memref_slice %arg4[%add3A, %dma_start3A_30] : memref<40x10240xi32, #tpu.memory_space<hbm>> -> memref<1x10240xi32, #tpu.memory_space<hbm>>
      %dma_start3A_32 = tpu.memref_squeeze %dma_start3A_31 : memref<1x10240xi32, #tpu.memory_space<hbm>> -> memref<10240xi32, #tpu.memory_space<hbm>>
      %dma_start3A_33 = arith.constant 0 : i32
      %dma_start3A_34 = tpu.memref_slice %arg4[%add3A, %dma_start3A_33] : memref<40x10240xi32, #tpu.memory_space<hbm>> -> memref<1x10240xi32, #tpu.memory_space<hbm>>
      %dma_start3A_35 = tpu.memref_squeeze %dma_start3A_34 : memref<1x10240xi32, #tpu.memory_space<hbm>> -> memref<10240xi32, #tpu.memory_space<hbm>>
      tpu.enqueue_dma source(%arg6 : memref<10240xi32, #tpu.memory_space<vmem>>) target(%dma_start3A_35 : memref<10240xi32, #tpu.memory_space<hbm>>) target_semaphore(%run_scoped3A : memref<!tpu.dma_semaphore, #tpu.memory_space<semaphore_mem>>)
      %dma_wait3A_36 = arith.constant 0 : i32
      %dma_wait3A_37 = tpu.memref_slice %arg4[%add3A, %dma_wait3A_36] : memref<40x10240xi32, #tpu.memory_space<hbm>> -> memref<1x10240xi32, #tpu.memory_space<hbm>>
      %dma_wait3A_38 = tpu.memref_squeeze %dma_wait3A_37 : memref<1x10240xi32, #tpu.memory_space<hbm>> -> memref<10240xi32, #tpu.memory_space<hbm>>
      %dma_wait3A_39 = arith.constant 0 : i32
      %dma_wait3A_40 = tpu.memref_slice %arg4[%add3A, %dma_wait3A_39] : memref<40x10240xi32, #tpu.memory_space<hbm>> -> memref<1x10240xi32, #tpu.memory_space<hbm>>
      %dma_wait3A_41 = tpu.memref_squeeze %dma_wait3A_40 : memref<1x10240xi32, #tpu.memory_space<hbm>> -> memref<10240xi32, #tpu.memory_space<hbm>>
      tpu.wait_dma2 semaphore(%run_scoped3A : memref<!tpu.dma_semaphore, #tpu.memory_space<semaphore_mem>>) src(%arg6 : memref<10240xi32, #tpu.memory_space<vmem>>) dst(%dma_wait3A_41 : memref<10240xi32, #tpu.memory_space<hbm>>)
      tpu.yield
    }) : () -> ()
    return
  }
}

module attributes {stable_mosaic.version = 14 : i64} {
  func.func @_tc_body(%arg0: i32, %arg1: memref<1xf32, #tpu.memory_space<smem>>, %arg2: memref<40x10240xi32, #tpu.memory_space<vmem>>, %arg3: memref<10000x118xf32, #tpu.memory_space<vmem>>, %arg4: memref<10000x3xf32, #tpu.memory_space<vmem>>, %arg5: memref<128x118xf32, #tpu.memory_space<vmem>>, %arg6: memref<1x128xf32, #tpu.memory_space<vmem>>, %arg7: memref<128x3xf32, #tpu.memory_space<vmem>>, %arg8: memref<1x128xf32, #tpu.memory_space<vmem>>, %arg9: memref<128x256xf32, #tpu.memory_space<vmem>>, %arg10: memref<1x128xf32, #tpu.memory_space<vmem>>, %arg11: memref<100x128xf32, #tpu.memory_space<vmem>>, %arg12: memref<1x100xf32, #tpu.memory_space<vmem>>, %arg13: memref<1x100xf32, #tpu.memory_space<vmem>>) attributes {dimension_semantics = [#tpu.dimension_semantics<arbitrary>], iteration_bounds = array<i64: 1>, scalar_prefetch = 0 : i64, scratch_operands = 0 : i64, tpu.core_type = #tpu.core_type<tc>, window_params = [{transform_indices = @transform_0, window_bounds = array<i64: 1>}, {pipeline_mode = #tpu.pipeline_mode<synchronous>, transform_indices = @transform_1, window_bounds = array<i64: 40, 10240>}, {pipeline_mode = #tpu.pipeline_mode<synchronous>, transform_indices = @transform_2, window_bounds = array<i64: 10000, 118>}, {pipeline_mode = #tpu.pipeline_mode<synchronous>, transform_indices = @transform_3, window_bounds = array<i64: 10000, 3>}, {pipeline_mode = #tpu.pipeline_mode<synchronous>, transform_indices = @transform_4, window_bounds = array<i64: 128, 118>}, {pipeline_mode = #tpu.pipeline_mode<synchronous>, transform_indices = @transform_5, window_bounds = array<i64: 1, 128>}, {pipeline_mode = #tpu.pipeline_mode<synchronous>, transform_indices = @transform_6, window_bounds = array<i64: 128, 3>}, {pipeline_mode = #tpu.pipeline_mode<synchronous>, transform_indices = @transform_7, window_bounds = array<i64: 1, 128>}, {pipeline_mode = #tpu.pipeline_mode<synchronous>, transform_indices = @transform_8, window_bounds = array<i64: 128, 256>}, {pipeline_mode = #tpu.pipeline_mode<synchronous>, transform_indices = @transform_9, window_bounds = array<i64: 1, 128>}, {pipeline_mode = #tpu.pipeline_mode<synchronous>, transform_indices = @transform_10, window_bounds = array<i64: 100, 128>}, {pipeline_mode = #tpu.pipeline_mode<synchronous>, transform_indices = @transform_11, window_bounds = array<i64: 1, 100>}, {pipeline_mode = #tpu.pipeline_mode<synchronous>, transform_indices = @transform_12, window_bounds = array<i64: 1, 100>}]} {
    %get3A = arith.constant 0 : index
    %get3A_0 = arith.constant 0 : index
    %get3A_1 = vector.load %arg2[%get3A, %get3A_0] : memref<40x10240xi32, #tpu.memory_space<vmem>>, vector<40x10240xi32>
    %slice3A = vector.extract_strided_slice %get3A_1 {offsets = [0, 0], sizes = [32, 10240], strides = [1, 1]} : vector<40x10240xi32> to vector<32x10240xi32>
    %reduce_sum3A = arith.constant dense<0> : vector<10240xi32>
    %reduce_sum3A_2 = vector.multi_reduction <add>, %slice3A, %reduce_sum3A [0] : vector<32x10240xi32> to vector<10240xi32>
    %slice3A_3 = vector.extract_strided_slice %reduce_sum3A_2 {offsets = [0], sizes = [10000], strides = [1]} : vector<10240xi32> to vector<10000xi32>
    %convert_element_type3A = arith.sitofp %slice3A_3 : vector<10000xi32> to vector<10000xf32>
    %slice3A_4 = vector.extract_strided_slice %get3A_1 {offsets = [32, 0], sizes = [1, 10000], strides = [1, 1]} : vector<40x10240xi32> to vector<1x10000xi32>
    %squeeze3A = vector.shape_cast %slice3A_4 : vector<1x10000xi32> to vector<10000xi32>
    %ne3A = arith.constant 0 : i32
    %ne3A_5 = vector.broadcast %ne3A : i32 to vector<10000xi32>
    %ne3A_6 = arith.cmpi ne, %squeeze3A, %ne3A_5 : vector<10000xi32>
    %jit3A = arith.constant 1.000000e+00 : f32
    %jit3A_7 = arith.constant 0.000000e+00 : f32
    %broadcast_in_dim3A = vector.broadcast %jit3A : f32 to vector<10000xf32>
    %broadcast_in_dim3A_8 = vector.broadcast %jit3A_7 : f32 to vector<10000xf32>
    %select_n3A = arith.select %ne3A_6, %broadcast_in_dim3A, %broadcast_in_dim3A_8 : vector<10000xi1>, vector<10000xf32>
    %get3A_9 = arith.constant 0 : index
    %get3A_10 = memref.load %arg1[%get3A_9] : memref<1xf32, #tpu.memory_space<smem>>
    %add3A = arith.constant 1.000000e+00 : f32
    %add3A_11 = arith.addf %add3A, %get3A_10 : f32
    %mul3A = vector.broadcast %add3A_11 : f32 to vector<10000xf32>
    %mul3A_12 = arith.mulf %mul3A, %select_n3A : vector<10000xf32>
    %add3A_13 = arith.addf %mul3A_12, %convert_element_type3A : vector<10000xf32>
    %broadcast_in_dim3A_14 = vector.shape_cast %add3A_13 : vector<10000xf32> to vector<1x10000xf32>
    %get3A_15 = arith.constant 0 : index
    %get3A_16 = arith.constant 0 : index
    %get3A_17 = vector.load %arg3[%get3A_15, %get3A_16] : memref<10000x118xf32, #tpu.memory_space<vmem>>, vector<10000x118xf32>
    %dot_general3A = arith.constant dense<0.000000e+00> : vector<1x118xf32>
    %dot_general3A_18 = tpu.matmul %broadcast_in_dim3A_14, %get3A_17, %dot_general3A {dimension_numbers = #tpu.dot_dimension_numbers<[1], [0], [0], [1], [0, 0, 1, 1], [], []>, transpose_lhs_hint = false} : vector<1x10000xf32>, vector<10000x118xf32>, vector<1x118xf32> -> vector<1x118xf32>
    %get3A_19 = arith.constant 0 : index
    %get3A_20 = arith.constant 0 : index
    %get3A_21 = vector.load %arg4[%get3A_19, %get3A_20] : memref<10000x3xf32, #tpu.memory_space<vmem>>, vector<10000x3xf32>
    %dot_general3A_22 = arith.constant dense<0.000000e+00> : vector<1x3xf32>
    %dot_general3A_23 = tpu.matmul %broadcast_in_dim3A_14, %get3A_21, %dot_general3A_22 {dimension_numbers = #tpu.dot_dimension_numbers<[1], [0], [0], [1], [0, 0, 1, 1], [], []>, transpose_lhs_hint = false} : vector<1x10000xf32>, vector<10000x3xf32>, vector<1x3xf32> -> vector<1x3xf32>
    %reduce_sum3A_24 = vector.shape_cast %add3A_13 : vector<10000xf32> to vector<1x10000xf32>
    %reduce_sum3A_25 = arith.constant dense<0.000000e+00> : vector<1xf32>
    %reduce_sum3A_26 = vector.multi_reduction <add>, %reduce_sum3A_24, %reduce_sum3A_25 [1] : vector<1x10000xf32> to vector<1xf32>
    %reduce_sum3A_27 = vector.shape_cast %reduce_sum3A_26 : vector<1xf32> to vector<1x1xf32>
    %reduce_sum3A_28 = vector.extract %reduce_sum3A_27[0, 0] : f32 from vector<1x1xf32>
    %get3A_29 = arith.constant 0 : index
    %get3A_30 = arith.constant 0 : index
    %get3A_31 = vector.load %arg5[%get3A_29, %get3A_30] : memref<128x118xf32, #tpu.memory_space<vmem>>, vector<128x118xf32>
    %dot_general3A_32 = arith.constant dense<0.000000e+00> : vector<1x128xf32>
    %dot_general3A_33 = tpu.matmul %dot_general3A_18, %get3A_31, %dot_general3A_32 {dimension_numbers = #tpu.dot_dimension_numbers<[1], [1], [0], [0], [0, 0, 1, 0], [], []>, precision = #tpu.contract_precision<fp32>, transpose_lhs_hint = false} : vector<1x118xf32>, vector<128x118xf32>, vector<1x128xf32> -> vector<1x128xf32>
    %get3A_34 = arith.constant 0 : index
    %get3A_35 = arith.constant 0 : index
    %get3A_36 = vector.load %arg6[%get3A_34, %get3A_35] : memref<1x128xf32, #tpu.memory_space<vmem>>, vector<1x128xf32>
    %mul3A_37 = vector.broadcast %reduce_sum3A_28 : f32 to vector<1x128xf32>
    %mul3A_38 = arith.mulf %mul3A_37, %get3A_36 : vector<1x128xf32>
    %add3A_39 = arith.addf %dot_general3A_33, %mul3A_38 : vector<1x128xf32>
    %get3A_40 = arith.constant 0 : index
    %get3A_41 = arith.constant 0 : index
    %get3A_42 = vector.load %arg7[%get3A_40, %get3A_41] : memref<128x3xf32, #tpu.memory_space<vmem>>, vector<128x3xf32>
    %dot_general3A_43 = arith.constant dense<0.000000e+00> : vector<1x128xf32>
    %dot_general3A_44 = tpu.matmul %dot_general3A_23, %get3A_42, %dot_general3A_43 {dimension_numbers = #tpu.dot_dimension_numbers<[1], [1], [0], [0], [0, 0, 1, 0], [], []>, precision = #tpu.contract_precision<fp32>, transpose_lhs_hint = false} : vector<1x3xf32>, vector<128x3xf32>, vector<1x128xf32> -> vector<1x128xf32>
    %get3A_45 = arith.constant 0 : index
    %get3A_46 = arith.constant 0 : index
    %get3A_47 = vector.load %arg8[%get3A_45, %get3A_46] : memref<1x128xf32, #tpu.memory_space<vmem>>, vector<1x128xf32>
    %mul3A_48 = vector.broadcast %reduce_sum3A_28 : f32 to vector<1x128xf32>
    %mul3A_49 = arith.mulf %mul3A_48, %get3A_47 : vector<1x128xf32>
    %add3A_50 = arith.addf %dot_general3A_44, %mul3A_49 : vector<1x128xf32>
    %concatenate3A = tpu.concatenate %add3A_39, %add3A_50 in 1 : vector<1x128xf32>, vector<1x128xf32> -> vector<1x256xf32>
    %get3A_51 = arith.constant 0 : index
    %get3A_52 = arith.constant 0 : index
    %get3A_53 = vector.load %arg9[%get3A_51, %get3A_52] : memref<128x256xf32, #tpu.memory_space<vmem>>, vector<128x256xf32>
    %dot_general3A_54 = arith.constant dense<0.000000e+00> : vector<1x128xf32>
    %dot_general3A_55 = tpu.matmul %concatenate3A, %get3A_53, %dot_general3A_54 {dimension_numbers = #tpu.dot_dimension_numbers<[1], [1], [0], [0], [0, 0, 1, 0], [], []>, precision = #tpu.contract_precision<fp32>, transpose_lhs_hint = false} : vector<1x256xf32>, vector<128x256xf32>, vector<1x128xf32> -> vector<1x128xf32>
    %get3A_56 = arith.constant 0 : index
    %get3A_57 = arith.constant 0 : index
    %get3A_58 = vector.load %arg10[%get3A_56, %get3A_57] : memref<1x128xf32, #tpu.memory_space<vmem>>, vector<1x128xf32>
    %mul3A_59 = vector.broadcast %reduce_sum3A_28 : f32 to vector<1x128xf32>
    %mul3A_60 = arith.mulf %mul3A_59, %get3A_58 : vector<1x128xf32>
    %add3A_61 = arith.addf %dot_general3A_55, %mul3A_60 : vector<1x128xf32>
    %mul3A_62 = arith.constant 9.99999974E-5 : f32
    %mul3A_63 = vector.broadcast %mul3A_62 : f32 to vector<1x128xf32>
    %mul3A_64 = arith.mulf %add3A_61, %mul3A_63 : vector<1x128xf32>
    %get3A_65 = arith.constant 0 : index
    %get3A_66 = arith.constant 0 : index
    %get3A_67 = vector.load %arg11[%get3A_65, %get3A_66] : memref<100x128xf32, #tpu.memory_space<vmem>>, vector<100x128xf32>
    %dot_general3A_68 = arith.constant dense<0.000000e+00> : vector<1x100xf32>
    %dot_general3A_69 = tpu.matmul %mul3A_64, %get3A_67, %dot_general3A_68 {dimension_numbers = #tpu.dot_dimension_numbers<[1], [1], [0], [0], [0, 0, 1, 0], [], []>, precision = #tpu.contract_precision<fp32>, transpose_lhs_hint = false} : vector<1x128xf32>, vector<100x128xf32>, vector<1x100xf32> -> vector<1x100xf32>
    %get3A_70 = arith.constant 0 : index
    %get3A_71 = arith.constant 0 : index
    %get3A_72 = vector.load %arg12[%get3A_70, %get3A_71] : memref<1x100xf32, #tpu.memory_space<vmem>>, vector<1x100xf32>
    %add3A_73 = arith.addf %dot_general3A_69, %get3A_72 : vector<1x100xf32>
    %logistic3A = arith.negf %add3A_73 : vector<1x100xf32>
    %logistic3A_74 = math.exp %logistic3A : vector<1x100xf32>
    %logistic3A_75 = arith.constant 1.000000e+00 : f32
    %logistic3A_76 = vector.broadcast %logistic3A_75 : f32 to vector<1x100xf32>
    %logistic3A_77 = arith.addf %logistic3A_76, %logistic3A_74 : vector<1x100xf32>
    %logistic3A_78 = arith.divf %logistic3A_76, %logistic3A_77 : vector<1x100xf32>
    %swap3A = arith.constant 0 : index
    %swap3A_79 = arith.constant 0 : index
    %swap3A_80 = vector.load %arg13[%swap3A, %swap3A_79] : memref<1x100xf32, #tpu.memory_space<vmem>>, vector<1x100xf32>
    tpu.vector_store %arg13[%swap3A, %swap3A_79], %logistic3A_78 {strides = array<i32>} : memref<1x100xf32, #tpu.memory_space<vmem>>, vector<1x100xf32>,
    return
  }
  func.func @transform_0(%arg0: i32) -> i32 {
    %c0_i32 = arith.constant 0 : i32
    %c0_i32_0 = arith.constant 0 : i32
    return %c0_i32 : i32
  }
  func.func @transform_1(%arg0: i32) -> (i32, i32) {
    %c0_i32 = arith.constant 0 : i32
    %c0_i32_0 = arith.constant 0 : i32
    %c0_i32_1 = arith.constant 0 : i32
    return %c0_i32, %c0_i32_0 : i32, i32
  }
  func.func @transform_2(%arg0: i32) -> (i32, i32) {
    %c0_i32 = arith.constant 0 : i32
    %c0_i32_0 = arith.constant 0 : i32
    %c0_i32_1 = arith.constant 0 : i32
    return %c0_i32, %c0_i32_0 : i32, i32
  }
  func.func @transform_3(%arg0: i32) -> (i32, i32) {
    %c0_i32 = arith.constant 0 : i32
    %c0_i32_0 = arith.constant 0 : i32
    %c0_i32_1 = arith.constant 0 : i32
    return %c0_i32, %c0_i32_0 : i32, i32
  }
  func.func @transform_4(%arg0: i32) -> (i32, i32) {
    %c0_i32 = arith.constant 0 : i32
    %c0_i32_0 = arith.constant 0 : i32
    %c0_i32_1 = arith.constant 0 : i32
    return %c0_i32, %c0_i32_0 : i32, i32
  }
  func.func @transform_5(%arg0: i32) -> (i32, i32) {
    %c0_i32 = arith.constant 0 : i32
    %c0_i32_0 = arith.constant 0 : i32
    %c0_i32_1 = arith.constant 0 : i32
    return %c0_i32, %c0_i32_0 : i32, i32
  }
  func.func @transform_6(%arg0: i32) -> (i32, i32) {
    %c0_i32 = arith.constant 0 : i32
    %c0_i32_0 = arith.constant 0 : i32
    %c0_i32_1 = arith.constant 0 : i32
    return %c0_i32, %c0_i32_0 : i32, i32
  }
  func.func @transform_7(%arg0: i32) -> (i32, i32) {
    %c0_i32 = arith.constant 0 : i32
    %c0_i32_0 = arith.constant 0 : i32
    %c0_i32_1 = arith.constant 0 : i32
    return %c0_i32, %c0_i32_0 : i32, i32
  }
  func.func @transform_8(%arg0: i32) -> (i32, i32) {
    %c0_i32 = arith.constant 0 : i32
    %c0_i32_0 = arith.constant 0 : i32
    %c0_i32_1 = arith.constant 0 : i32
    return %c0_i32, %c0_i32_0 : i32, i32
  }
  func.func @transform_9(%arg0: i32) -> (i32, i32) {
    %c0_i32 = arith.constant 0 : i32
    %c0_i32_0 = arith.constant 0 : i32
    %c0_i32_1 = arith.constant 0 : i32
    return %c0_i32, %c0_i32_0 : i32, i32
  }
  func.func @transform_10(%arg0: i32) -> (i32, i32) {
    %c0_i32 = arith.constant 0 : i32
    %c0_i32_0 = arith.constant 0 : i32
    %c0_i32_1 = arith.constant 0 : i32
    return %c0_i32, %c0_i32_0 : i32, i32
  }
  func.func @transform_11(%arg0: i32) -> (i32, i32) {
    %c0_i32 = arith.constant 0 : i32
    %c0_i32_0 = arith.constant 0 : i32
    %c0_i32_1 = arith.constant 0 : i32
    return %c0_i32, %c0_i32_0 : i32, i32
  }
  func.func @transform_12(%arg0: i32) -> (i32, i32) {
    %c0_i32 = arith.constant 0 : i32
    %c0_i32_0 = arith.constant 0 : i32
    %c0_i32_1 = arith.constant 0 : i32
    return %c0_i32, %c0_i32_0 : i32, i32
  }
}

</mosaic_0001>

<sc_bundles>
// kernel: kernel.4.cloned.1.call-start
scs
__scs_entry_jumppad:
0x0: {  	(pc) =	sbr.rel $0x88, $3  }
0x1: {  	(tag) =	ssettag $0x0;
	lr =	simm.s32 $0x1  }
0x2: {  	[smem:$0x3F94] =	sst lr;
	_ =	strace $0xD0000000  }
0x3: {  	_ = 	snop  }
0x4: {  	_ = 	snop  }
0x5: {  	_ = 	snop  }
0x6: {  	_ = 	snop  }
0x7: {  	_ = 	snop  }
__scs_overlays_trampoline_lowered:
0x8: {  	[smem:$0x3FA3] =	sst s0  }
0x9: {  	[smem:$0x3FA4] =	sst s1  }
0xa: {  	[smem:$0x3FA5] =	sst s2  }
0xb: {  	[smem:$0x3FA6] =	sst s3  }
0xc: {  	[smem:$0x3FA7] =	sst s4  }
0xd: {  	[smem:$0x3FA8] =	sst s5  }
0xe: {  	[smem:$0x3FA9] =	sst s6  }
0xf: {  	[smem:$0x3FAA] =	sst s7  }
0x10: {  	[smem:$0x3FAB] =	sst s8  }
0x11: {  	[smem:$0x3FAC] =	sst s9;
	s0 =	simm.s32 @!p0 $0x0  }
0x12: {  	s1 =	sld [smem:$0x3F92];
	s0 =	simm.s32 @p0 $0x1  }
0x13: {  	[smem:$0x3FAD] =	sst s0;
	s0 =	simm.s32 @!p1 $0x0  }
0x14: {  	s2 =	sld [smem:$0x3F91];
	s0 =	simm.s32 @p1 $0x1  }
0x15: {  	[smem:$0x3FAE] =	sst s0;
	s0 =	simm.s32 @!p2 $0x0  }
0x16: {  	s3 =	sld [smem:$0x3FDB];
	s0 =	simm.s32 @p2 $0x1  }
0x17: {  	s4 =	simm.s32 $0x1BF5;
	[smem:$0x3FB0] =	sst s0  }
0x18: {  	s0 =	sld [smem:$0x3F93];
	_ =	swait.ge [sflag:s4], $0x0  }
0x19: {  	s7 =	sld [smem:$0x3F94]  }
0x1a: {  	s8 =	sadd.s32 $0xFFFFE003, lr  }
0x1b: {  	s9 =	sadd.s32 $0xFFFFFEF7, lr;
	s5 =	simm.s32 $0xFFFFFFFF;
	p2 =	slt.u32 s8, $0xFFFFF086  }
0x1c: {  	p1 =	slt.u32 s9, $0xF7A;
	s5 =	simm.s32 @!p2 $0x0  }
0x1d: {  	s5 =	simm.s32 @p1 $0x1;
	p0 =	seq.s32 s7, s2  }
0x1e: {  	s7 =	smul.u32 @!p0 $0xF7A, s2;
	p2 =	seq.s32 @!p0 s5, $0x0  }
0x1f: {  	s9 =	smul.u32 $0xF7A, s1;
	s8 =	simm.s32 @!p0 $0x1BF5;
	p2 =	por !p2, p0  }
0x20: {  	[sflag:s8] =	ssyncset.s32 @!p0 $0xFFFFF086;
	s6 =	sadd.s32 @!p0 s3, s7;
	s7 =	simm.s32 @!p0 $0x108  }
0x21: {  	s3 =	sadd.s32 s3, s9;
	s6 =	sadd.s32 @!p0 $0x88, s6;
	s7 =	simm.s32 @p2 $0x1082  }
0x22: {  	[simem:s7], [sflag:s8] =	dma.local @!p0 [hbm:s6], $0xF7A  }
0x23: {  	s9 =	sor.u32 $0xD0000000, s2;
	s6 =	simm.s32 $0x108;
	_ =	swait.ge @!p0 [sflag:s8], $0x0  }
0x24: {  	s3 =	sadd.s32 $0x88, s3;
	s6 =	simm.s32 @!p1 $0x1082;
	[sflag:s4] =	ssyncset.s32 $0xFFFFF086  }
0x25: {  	[simem:s6], [sflag:s4] =	dma.local [hbm:s3], $0xF7A  }
0x26: {  	[smem:$0x3F94] =	sst s1;
	(tag) =	ssettag s2;
	_ =	strace s9  }
0x27: {  	s1 =	sld [smem:$0x3FA4]  }
0x28: {  	s2 =	sld [smem:$0x3FA5]  }
0x29: {  	s4 =	sld [smem:$0x3FA7]  }
0x2a: {  	p0 =	seq.s32 s5, $0x0;
	s5 =	sld [smem:$0x3FA8]  }
0x2b: {  	s6 =	sld [smem:$0x3FA9]  }
0x2c: {  	s7 =	sld [smem:$0x3FAA]  }
0x2d: {  	s3 =	simm.s32 $0x108;
	s8 =	sld [smem:$0x3FAB]  }
0x2e: {  	s3 =	simm.s32 @!p0 $0x1082;
	s9 =	sld [smem:$0x3FAC]  }
0x2f: {  	lr =	sadd.s32 s0, s3;
	s0 =	sld [smem:$0x3FA3]  }
0x30: {  	s3 =	sld [smem:$0x3FA6]  }
0x31: {  	[smem:$0x3FAF] =	sst s10  }
0x32: {  	s10 =	sld [smem:$0x3FAD];
	_ =	sdelay $0x3  }
0x33: {  	p0 =	seq.s32 s10, $0x1;
	s10 =	sld [smem:$0x3FAF];
	_ =	sdelay $0x3  }
0x34: {  	[smem:$0x3FAF] =	sst s10  }
0x35: {  	s10 =	sld [smem:$0x3FAE];
	_ =	sdelay $0x3  }
0x36: {  	p1 =	seq.s32 s10, $0x1;
	s10 =	sld [smem:$0x3FAF];
	_ =	sdelay $0x3  }
0x37: {  	[smem:$0x3FAF] =	sst s10  }
0x38: {  	s10 =	sld [smem:$0x3FB0]  }
0x39: {  	_ = 	snop;
	(pc) =	sbr.ind lr, $3  }
0x3a: {  	_ = 	snop  }
0x3b: {  	_ = 	snop  }
0x3c: {  	p2 =	seq.s32 s10, $0x1;
	s10 =	sld [smem:$0x3FAF]  }
0x3d: {  	_ =	shalt  }
0x3e: {  	_ =	shalt  }
0x3f: {  	_ =	shalt  }
0x40: {  	_ =	shalt  }
0x41: {  	_ =	shalt  }
0x42: {  	_ =	shalt  }
0x43: {  	_ =	shalt  }
0x44: {  	_ =	shalt  }
0x45: {  	_ =	shalt  }
0x46: {  	_ =	shalt  }
0x47: {  	_ =	shalt  }
0x48: {  	_ =	shalt  }
0x49: {  	_ =	shalt  }
0x4a: {  	_ =	shalt  }
0x4b: {  	_ =	shalt  }
0x4c: {  	_ =	shalt  }
0x4d: {  	_ =	shalt  }
0x4e: {  	_ =	shalt  }
0x4f: {  	_ =	shalt  }
0x50: {  	_ =	shalt  }
0x51: {  	_ =	shalt  }
0x52: {  	_ =	shalt  }
0x53: {  	_ =	shalt  }
0x54: {  	_ =	shalt  }
0x55: {  	_ =	shalt  }
0x56: {  	_ =	shalt  }
0x57: {  	_ =	shalt  }
0x58: {  	_ =	shalt  }
0x59: {  	_ =	shalt  }
0x5a: {  	_ =	shalt  }
0x5b: {  	_ =	shalt  }
0x5c: {  	_ =	shalt  }
0x5d: {  	_ =	shalt  }
0x5e: {  	_ =	shalt  }
0x5f: {  	_ =	shalt  }
0x60: {  	_ =	shalt  }
0x61: {  	_ =	shalt  }
0x62: {  	_ =	shalt  }
0x63: {  	_ =	shalt  }
0x64: {  	_ =	shalt  }
0x65: {  	_ =	shalt  }
0x66: {  	_ =	shalt  }
0x67: {  	_ =	shalt  }
0x68: {  	_ =	shalt  }
0x69: {  	_ =	shalt  }
0x6a: {  	_ =	shalt  }
0x6b: {  	_ =	shalt  }
0x6c: {  	_ =	shalt  }
0x6d: {  	_ =	shalt  }
0x6e: {  	_ =	shalt  }
0x6f: {  	_ =	shalt  }
0x70: {  	_ =	shalt  }
0x71: {  	_ =	shalt  }
0x72: {  	_ =	shalt  }
0x73: {  	_ =	shalt  }
0x74: {  	_ =	shalt  }
0x75: {  	_ =	shalt  }
0x76: {  	_ =	shalt  }
0x77: {  	_ =	shalt  }
0x78: {  	_ =	shalt  }
0x79: {  	_ =	shalt  }
0x7a: {  	_ =	shalt  }
0x7b: {  	_ =	shalt  }
0x7c: {  	_ =	shalt  }
0x7d: {  	_ =	shalt  }
0x7e: {  	_ =	shalt  }
0x7f: {  	_ =	shalt  }
0x80: {  	_ =	shalt  }
0x81: {  	_ =	shalt  }
0x82: {  	_ =	shalt  }
0x83: {  	_ =	shalt  }
0x84: {  	_ =	shalt  }
0x85: {  	_ =	shalt  }
0x86: {  	_ =	shalt  }
0x87: {  	_ =	shalt  }
.Lfunc_end0:
.L_simem_size_0:
called_computation_lowered:
.L_overlay_start_0:
0x88: {  	s2 =	sld [smem:$0x3FD9]  }
0x89: {  	s3 =	sld [smem:$0x3FFE];
	_ =	sdelay $0x1  }
0x8a: {  	s1 =	srdreg.scid  }
0x8b: {  	s0 =	sand.u32 $0x1, s1  }
0x8c: {  	s17 =	sshll.u32 s0, $0xA;
	s2 =	sadd.s32 s3, s2  }
0x8d: {  	s2 =	sadd.s32 s2, s17  }
0x8e: {  	[smem:$0x3FBB] =	sst s2  }
0x8f: {  	_ = 	snop  }
0x90: {  	s2 =	sld [smem:$0x3FC7]  }
0x91: {  	s18 =	sld [smem:$0x3FC6];
	(tm) =	ssettm $0x1  }
0x92: {  	s4 =	sld [smem:$0x3FFB];
	_ =	sdelay $0x3  }
0x93: {  	_ =	strace s4  }
0x94: {  	s4 =	sld [smem:$0x3FFC];
	_ =	sdelay $0x3  }
0x95: {  	_ =	strace s4  }
0x96: {  	s4 =	sld [smem:$0x3FFD];
	_ =	sdelay $0x3  }
0x97: {  	_ =	strace s4  }
0x98: {  	_ =	strace $0x8FFFFFFF  }
0x99: {  	s19 =	sld [smem:$0x3FDB];
	_ =	sdelay $0x1  }
0x9a: {  	s5 =	simm.s32 $_scs_section_size  }
0x9b: {  	s6 =	simm.s32 $_size__tile_overlayer_lowered;
	s7 =	simm.s32 $_tile_overlayer_lowered  }
0x9c: {  	s22 =	simm.s32 $0x1BFF;
	s21 =	sshll.u32 s7, $0x1;
	s4 =	sadd.s32 s5, s19  }
0x9d: {  	s8 =	simm.s32 $0x0;
	s20 =	sshll.u32 s6, $0x1;
	s6 =	sadd.s32 s21, s4  }
0x9e: {  	[timem:s8], [sflag:s22] =	dma.local [hbm:s6], s20  }
0x9f: {  	_ =	swait.ge [sflag:s22], s20  }
0xa0: {  	s5 =	ssub.s32 $0x0, s20;
	[sflag:s22] =	ssyncset.done $0x0  }
0xa1: {  	[sflag:s22] =	ssyncadd.s32 s5;
	_ =	sdelay $0x1  }
0xa2: {  	s23 =	simm.s32 $0x1B8B  }
0xa3: {  	_ =	swait.ge [sflag:s23], $0x1  }
0xa4: {  	[sflag:s23] =	ssyncset.done $0x0  }
0xa5: {  	s25 =	simm.s32 $0x1B8E;
	s24 =	sld [smem:$0x3FFE];
	[sflag:s23] =	ssyncadd.s32 $0xFFFFFFFF  }
0xa6: {  	s26 =	simm.s32 $execute0_lowered;
	[smem:$0x3FD2] =	sst s25  }
0xa7: {  	s6 =	sshll.u32 s26, $0x1;
	_ =	strace $0x80000046;
	[dreg:$0x1] =	wrdreg $0xFFFFFFFF  }
0xa8: {  	s28 =	simm.s32 $_size_execute0_lowered;
	s4 =	sadd.s32 s4, s6;
	[dreg:$0x0] =	wrdreg $0x0  }
0xa9: {  	s6 =	sshll.u32 s28, $0x1;
	[dreg:$0x2] =	wrdreg s4  }
0xaa: {  	[dreg:$0x3] =	wrdreg s6  }
0xab: {  	[dreg:$0x4] =	wrdreg $0xC0  }
0xac: {  	_ =	task [dreg:s8], $0x5FFFF  }
0xad: {  	[dreg:$0x1] =	wrdreg $0xFFFFFFFF  }
0xae: {  	[dreg:$0x0] =	wrdreg $0x60  }
0xaf: {  	[dreg:$0x2] =	wrdreg s18  }
0xb0: {  	[dreg:$0x3] =	wrdreg s2  }
0xb1: {  	[dreg:$0x4] =	wrdreg s24  }
0xb2: {  	[dreg:$0x5] =	wrdreg $0x9  }
0xb3: {  	_ =	task.clear_ibuf [dreg:s8], $0x6FFFF;
	_ =	strace $0x90000046  }
0xb4: {  	s29 =	simm.s32 $0x9;
	_ =	strace $0x80000048  }
0xb5: {  	_ =	swait.ge [sflag:s29], $0x1  }
0xb6: {  	[sflag:s29] =	ssyncadd.s32 $0xFFFFFFFF  }
0xb7: {  	_ =	strace $0x90000048  }
0xb8: {  	_ =	sfence  }
0xb9: {  	s30 =	sld [smem:$0x0];
	_ =	sdelay $0x2  }
0xba: {  	s31 =	sshll.u32 s1, $0xD;
	s1 =	sshrl.u32 s1, $0x2  }
0xbb: {  	s3 =	sand.u32 $0x4000, s31;
	s1 =	sadd.s32 s1, s30  }
0xbc: {  	s0 =	sor.u32 s3, s0;
	s1 =	sshll.u32 s1, $0x11  }
0xbd: {  	s0 =	sor.u32 s1, s0  }
0xbe: {  	s0 =	sadd.s32 $0x8F2B, s0  }
0xbf: {  	[sflag:s0] =	ssyncadd.remote.s32 $0x1  }
0xc0: {  	_ =	sfence.sel $0xFFFF  }
0xc1: {  	[dreg:$0x0] =	wrdreg $0xFFFFFFFF;
	(pc) =	sbr.abs _section_cstart, $3  }
0xc2: {  	[dreg:$0x1] =	wrdreg $0xFFFFFFFF  }
0xc3: {  	_ =	task.clear_ibuf [dreg:s8], $0x2FFFF;
	_ =	strace $0x9FFFFFFF  }
0xc4: {  	(tm) =	ssettm $0x7FFFFFFF  }
0xc5: {  	_ =	shalt  }
tec
execute0_lowered:
.L_overlay_start_1:
0x0: {  	(tag) =	ssettag $0x1  }
0x1: {  	s5 =	rddreg [dreg:$0x0]  }
0x2: {  	s1 =	srdreg.scid;
	s2 =	rddreg [dreg:$0x1]  }
0x3: {  	s0 =	stileid.u32;
	s6 =	rddreg [dreg:$0x2];
	s3 =	simm.s32 $0x0  }
0x4: {  	s11 =	simm.s32 $0x2;
	s12 =	simm.s32 $0x2800;
	s13 =	simm.s32 $0x3  }
0x5: {  	s14 =	simm.s32 $0x80;
	s15 =	simm.s32 $0x400;
	s16 =	simm.s32 $0x4  }
0x6: {  	s17 =	simm.s32 $0x0;
	s4 =	sand.u32 $0x1, s1;
	s1 =	rddreg [dreg:$0x3]  }
0x7: {  	s29 =	sshll.u32 s0, $0x1;
	s30 =	sshrl.u32 s0, $0x2;
	[smem:$0x7FF] =	sst s3  }
0x8: {  	s9 =	sor.u32 s4, s29;
	s7 =	smul.u32 $0x14000, s30;
	s4 =	ssub.s32 $0x2, s4  }
0x9: {  	_ =	strace $0x80000047;
	s8 =	sshll.u32 s9, $0x7;
	s10 =	smul.u32 $0x1380, s9  }
.Ltmp0:
0xa: {  	s31 =	sshrl.u32 s4, $0x1;
	s8 =	sand.u32 $0x380, s8;
	(pc) =	sbr.rel .LBB2_1-.Ltmp0, $4  }
0xb: {  	p0 =	sne.s32 s9, $0x0;
	s9 =	simm.s32 $0x5000;
	s7 =	sor.u32 s7, s8  }
0xc: {  	s8 =	ssub.s32 s4, s31;
	s4 =	sadd.s32 s5, s10;
	s7 =	sshrl.u32 s7, $0x3  }
0xd: {  	s5 =	sadd.s32 $0x27000, s5;
	s10 =	simm.s32 $0x1;
	s7 =	sadd.s32 s7, s6  }
0xe: {  	v0 =	vimm.s32 $0x0;
	s8 =	smax.u32 s8, $0x1;
	s6 =	sadd.s32 $0xBA00, s6;
	s7 =	sadd.s32 $0x1A00, s7  }
.LBB2_8:
0xf: {  	_ =	sdelay $0x3  }
0x10: {  	[tilespmem:v2+s12+$0x0] =	vst.idx.add.s32.msk $0xffff, v1  }
0x11: {  	[tilespmem:$0x2710] =	vst v0  }
0x12: {  	[tilespmem:$0x2720] =	vst v0  }
0x13: {  	[tilespmem:$0x2730] =	vst v0  }
0x14: {  	[tilespmem:$0x2740] =	vst v0  }
0x15: {  	[tilespmem:$0x2750] =	vst v0  }
0x16: {  	[tilespmem:$0x2760] =	vst v0  }
0x17: {  	[tilespmem:$0x2770] =	vst v0  }
0x18: {  	[tilespmem:$0x2780] =	vst v0  }
0x19: {  	[tilespmem:$0x2790] =	vst v0  }
0x1a: {  	[tilespmem:$0x27A0] =	vst v0  }
0x1b: {  	[tilespmem:$0x27B0] =	vst v0  }
0x1c: {  	[tilespmem:$0x27C0] =	vst v0  }
0x1d: {  	[tilespmem:$0x27D0] =	vst v0  }
0x1e: {  	[tilespmem:$0x27E0] =	vst v0  }
0x1f: {  	[tilespmem:$0x27F0] =	vst v0  }
0x20: {  	[hbm4b:s6+s14] =	stream.strided.scatter [tilespmem:s3], [sflag:$0x4], $0x2800, s15, s14, $0x38;
	[tilespmem:$0xF400] =	vst v63  }
0x21: {  	_ =	swait.ge [sflag:s16], $0x2800  }
0x22: {  	[sflag:s16] =	ssyncset.done $0x0  }
0x23: {  	[sflag:s16] =	ssyncadd.s32 $0xFFFFD800  }
.LBB2_9:
0x24: {  	s17 =	sadd.s32 $0x1, s17  }
0x25: {  	p1 =	sne.s32 s17, s8  }
.Ltmp1:
0x26: {  	_ = 	snop;
	(pc) =	sbr.rel @!p1 .LBB2_10-.Ltmp1, $4  }
0x27: {  	[hbm4b:s7+s14] =	stream.strided.scatter [tilespmem:s12], [sflag:$0x4], $0x2800, s15, s14, $0x38;
	[tilespmem:$0xF400] =	vst v63  }
0x28: {  	_ =	swait.ge [sflag:s16], $0x2800  }
0x29: {  	[sflag:s16] =	ssyncset.done $0x0  }
0x2a: {  	[sflag:s16] =	ssyncadd.s32 $0xFFFFD800  }
.LBB2_1:
0x2b: {  	[tilespmem:s3], [sflag:$0x1] =	stream.linear.gather [hbm4b:s2+s3], $0x2710, $0x38;
	[tilespmem:$0xF400] =	vst v63  }
0x2c: {  	_ = 	snop  }
0x2d: {  	[tilespmem:s9], [sflag:$0x2] =	stream.linear.gather [hbm4b:s4+s3], $0x9C00, $0x38;
	[tilespmem:$0xF400] =	vst v63  }
0x2e: {  	s18 =	simm.s32 @!p0 $0x0;
	s19 =	simm.s32 @!p0 $0xEC00  }
0x2f: {  	[tilespmem:s19], [sflag:$0x3] =	stream.linear.gather @!p0 [hbm4b:s5+s18], $0x800, $0x38;
	[tilespmem:$0xF400] =	vst v63  }
0x30: {  	s18 =	simm.s32 $0x0;
	s19 =	simm.s32 $0x200  }
.LBB2_2:
0x31: {  	p1 =	sne.s32 s19, $0x9E00;
	[tilespmem:s18+$0x2870] =	vst v0  }
0x32: {  	[tilespmem:s18+$0x2800] =	vst v0  }
0x33: {  	[tilespmem:s18+$0x2810] =	vst v0  }
.Ltmp2:
0x34: {  	[tilespmem:s18+$0x2820] =	vst v0;
	(pc) =	sbr.rel @p1 .LBB2_2-.Ltmp2, $4  }
0x35: {  	[tilespmem:s18+$0x2830] =	vst v0  }
0x36: {  	[tilespmem:s18+$0x2840] =	vst v0  }
0x37: {  	[tilespmem:s18+$0x2850] =	vst v0  }
0x38: {  	[tilespmem:s18+$0x2860] =	vst v0;
	s18 =	sshra.s32 s19, $0x2;
	s19 =	sadd.s32 $0x200, s19  }
0x39: {  	[tilespmem:s18+$0x2870] =	vst v0  }
0x3a: {  	[tilespmem:s18+$0x2800] =	vst v0  }
0x3b: {  	[tilespmem:s18+$0x2810] =	vst v0  }
0x3c: {  	[tilespmem:s18+$0x2820] =	vst v0  }
0x3d: {  	[tilespmem:s18+$0x2830] =	vst v0  }
0x3e: {  	[tilespmem:s18+$0x2840] =	vst v0  }
0x3f: {  	[tilespmem:s18+$0x2850] =	vst v0  }
0x40: {  	[tilespmem:s18+$0x2860] =	vst v0  }
0x41: {  	p1 =	por $0x0, $0x0;
	s18 =	simm.s32 $0x1;
	_ =	swait.ge [sflag:s10], $0x2710  }
0x42: {  	s18 =	simm.s32 @!p1 $0x0;
	[sflag:s10] =	ssyncset.done $0x0  }
0x43: {  	s18 =	sshll.u32 s18, $0x6;
	[sflag:s10] =	ssyncadd.s32 $0xFFFFD8F0  }
0x44: {  	s22 =	simm.s32 $0x0;
	s18 =	sadd.s32 $0x0, s18;
	_ =	swait.ge [sflag:s11], $0x9C00  }
0x45: {  	s19 =	sadd.s32 $0x30, s18;
	s20 =	sadd.s32 $0x10, s18;
	[sflag:s11] =	ssyncset.done $0x0  }
0x46: {  	s21 =	sadd.s32 $0x20, s18;
	s19 =	sor.u32 $0x80, s19;
	[sflag:s11] =	ssyncadd.s32 $0xFFFF6400  }
0x47: {  	s20 =	sor.u32 $0x80, s20;
	s31 =	sor.u32 $0x80, s21;
	s21 =	simm.s32 $0x0;
	v2 =	vld [tilespmem:s19+$0x5000]  }
0x48: {  	p1 =	por !p1, !p1;
	v3 =	vld [tilespmem:s20+$0x5000];
	s20 =	sand.u32 $0x40, s22;
	s19 =	sand.u32 $0xFF00, s21  }
0x49: {  	s18 =	sor.u32 $0x80, s18;
	v4 =	vld [tilespmem:s31+$0x5000];
	s23 =	sor.u32 s20, s19;
	s19 =	simm.s32 $0x1  }
0x4a: {  	v5 =	vld [tilespmem:s18+$0x5000];
	s19 =	simm.s32 @!p1 $0x0  }
0x4b: {  	v6 =	vld [tilespmem:s23+$0x5030];
	s19 =	sshll.u32 s19, $0x6  }
0x4c: {  	v1 =	vld [tilespmem:s23+$0x5000];
	s19 =	sadd.s32 $0x80, s19  }
0x4d: {  	v8 =	vld [tilespmem:s23+$0x5010];
	s24 =	sadd.s32 $0x30, s19  }
0x4e: {  	v9 =	vld [tilespmem:s23+$0x5020];
	s25 =	sadd.s32 $0x10, s19;
	s18 =	sor.u32 $0x80, s24  }
0x4f: {  	s26 =	sadd.s32 $0x20, s19;
	s20 =	sor.u32 $0x80, s25;
	v10 =	vld [tilespmem:s18+$0x5000]  }
0x50: {  	s28 =	sor.u32 $0x80, s26;
	v11 =	vld [tilespmem:s20+$0x5000]  }
0x51: {  	v12 =	vld [tilespmem:s28+$0x5000]  }
0x52: {  	v7 =	vld.idx.msk [tilespmem:v2+s3+$0x0], $0xffff  }
0x53: {  	s29 =	sor.u32 $0x80, s19;
	s19 =	simm.s32 $0x40;
	s18 =	simm.s32 $0x80;
	v3 =	vld.idx.msk [tilespmem:v3+s3+$0x0], $0xffff  }
0x54: {  	s30 =	sand.u32 $0x40, s19;
	v4 =	vld.idx.msk [tilespmem:v4+s3+$0x0], $0xffff;
	s31 =	sand.u32 $0xFF00, s18  }
0x55: {  	v2 =	vld.idx.msk [tilespmem:v5+s3+$0x0], $0xffff;
	s20 =	sor.u32 s30, s31  }
0x56: {  	v5 =	vld [tilespmem:s20+$0x5000]  }
0x57: {  	[tilespmem:v6+s12+$0x0] =	vst.idx.add.s32.msk $0xffff, v7  }
0x58: {  	v6 =	vld [tilespmem:s29+$0x5000]  }
0x59: {  	[tilespmem:v8+s12+$0x0] =	vst.idx.add.s32.msk $0xffff, v3  }
0x5a: {  	[tilespmem:v9+s12+$0x0] =	vst.idx.add.s32.msk $0xffff, v4  }
0x5b: {  	v7 =	vld [tilespmem:s20+$0x5030]  }
0x5c: {  	v8 =	vld.idx.msk [tilespmem:v10+s3+$0x0], $0xffff  }
0x5d: {  	v4 =	vld.idx.msk [tilespmem:v11+s3+$0x0], $0xffff  }
0x5e: {  	p1 =	por !p1, !p1;
	v3 =	vld.idx.msk [tilespmem:v12+s3+$0x0], $0xffff  }
.LBB2_4:
0x5f: {  	s21 =	simm.s32 $0x1  }
0x60: {  	v6 =	vld.idx.msk [tilespmem:v6+s3+$0x0], $0xffff;
	s21 =	simm.s32 @!p1 $0x0  }
0x61: {  	s18 =	sadd.s32 $0x80, s18;
	s21 =	sshll.u32 s21, $0x6;
	v9 =	vld [tilespmem:s20+$0x5010]  }
0x62: {  	s21 =	sadd.s32 s21, s18;
	v10 =	vld [tilespmem:s20+$0x5020]  }
0x63: {  	s20 =	sadd.s32 $0x10, s21;
	s22 =	sadd.s32 $0x20, s21;
	s23 =	sadd.s32 $0x30, s21;
	[tilespmem:v7+s12+$0x0] =	vst.idx.add.s32.msk $0xffff, v8  }
0x64: {  	s20 =	sor.u32 $0x80, s20;
	s22 =	sor.u32 $0x80, s22;
	s23 =	sor.u32 $0x80, s23;
	[tilespmem:v1+s12+$0x0] =	vst.idx.add.s32.msk $0xffff, v2;
	v1 =	vmov v5  }
0x65: {  	s21 =	sor.u32 $0x80, s21;
	v8 =	vld [tilespmem:s23+$0x5000]  }
0x66: {  	v2 =	vmov v6;
	v11 =	vld [tilespmem:s20+$0x5000]  }
0x67: {  	v12 =	vld [tilespmem:s22+$0x5000]  }
0x68: {  	s19 =	sadd.s32 $0x40, s19;
	v6 =	vld [tilespmem:s21+$0x5000]  }
0x69: {  	p2 =	slt.u32 s19, $0x4DC0;
	s20 =	sand.u32 $0x40, s19;
	s21 =	sand.u32 $0xFF00, s18;
	[tilespmem:v9+s12+$0x0] =	vst.idx.add.s32.msk $0xffff, v4  }
0x6a: {  	s20 =	sor.u32 s20, s21;
	[tilespmem:v10+s12+$0x0] =	vst.idx.add.s32.msk $0xffff, v3  }
.Ltmp3:
0x6b: {  	v7 =	vld [tilespmem:s20+$0x5030];
	(pc) =	sbr.rel @p2 .LBB2_4-.Ltmp3, $4  }
0x6c: {  	v5 =	vld [tilespmem:s20+$0x5000]  }
0x6d: {  	v8 =	vld.idx.msk [tilespmem:v8+s3+$0x0], $0xffff  }
0x6e: {  	v4 =	vld.idx.msk [tilespmem:v11+s3+$0x0], $0xffff  }
0x6f: {  	p1 =	por !p1, !p1;
	v3 =	vld.idx.msk [tilespmem:v12+s3+$0x0], $0xffff  }
0x70: {  	_ =	sdelay $0x1  }
0x71: {  	v9 =	vld [tilespmem:s20+$0x5010]  }
0x72: {  	v10 =	vld [tilespmem:s20+$0x5020]  }
0x73: {  	v6 =	vld.idx.msk [tilespmem:v6+s3+$0x0], $0xffff;
	_ =	sdelay $0x2  }
.Ltmp4:
0x74: {  	[tilespmem:v1+s12+$0x0] =	vst.idx.add.s32.msk $0xffff, v2;
	(pc) =	sbr.rel @p0 .LBB2_9-.Ltmp4, $4  }
0x75: {  	[tilespmem:v7+s12+$0x0] =	vst.idx.add.s32.msk $0xffff, v8  }
0x76: {  	[tilespmem:v5+s12+$0x0] =	vst.idx.add.s32.msk $0xffff, v6  }
0x77: {  	[tilespmem:v9+s12+$0x0] =	vst.idx.add.s32.msk $0xffff, v4  }
0x78: {  	[tilespmem:v10+s12+$0x0] =	vst.idx.add.s32.msk $0xffff, v3  }
0x79: {  	_ =	swait.ge [sflag:s13], $0x800  }
0x7a: {  	[sflag:s13] =	ssyncset.done $0x0  }
0x7b: {  	s18 =	simm.s32 $0xEC80;
	[sflag:s13] =	ssyncadd.s32 $0xFFFFF800  }
0x7c: {  	v1 =	vld [tilespmem:s18+$0x70]  }
0x7d: {  	v2 =	vld [tilespmem:s18+$0x10]  }
0x7e: {  	v3 =	vld [tilespmem:s18+$0x20]  }
0x7f: {  	v4 =	vld [tilespmem:s18+$0x30]  }
0x80: {  	v5 =	vld [tilespmem:s18+$0x40]  }
0x81: {  	v6 =	vld [tilespmem:s18+$0x50]  }
0x82: {  	v7 =	vld [tilespmem:s18+$0xFFFFFFF0]  }
0x83: {  	v8 =	vld [tilespmem:s18+$0x60]  }
0x84: {  	v9 =	vld [tilespmem:s18+$0x0]  }
0x85: {  	v63 =	vld [tilespmem:s18+$0xFFFFFF80]  }
0x86: {  	v11 =	vld [tilespmem:s18+$0xFFFFFF90]  }
0x87: {  	v12 =	vld [tilespmem:s18+$0xFFFFFFA0]  }
0x88: {  	v13 =	vld [tilespmem:s18+$0xFFFFFFB0]  }
0x89: {  	v14 =	vld [tilespmem:s18+$0xFFFFFFC0]  }
0x8a: {  	v15 =	vld [tilespmem:s18+$0xFFFFFFD0]  }
0x8b: {  	v1 =	vld.idx.msk [tilespmem:v1+s3+$0x0], $0xffff  }
0x8c: {  	v10 =	vld.idx.msk [tilespmem:v2+s3+$0x0], $0xffff  }
0x8d: {  	v3 =	vld.idx.msk [tilespmem:v3+s3+$0x0], $0xffff  }
0x8e: {  	v4 =	vld.idx.msk [tilespmem:v4+s3+$0x0], $0xffff  }
0x8f: {  	v5 =	vld.idx.msk [tilespmem:v5+s3+$0x0], $0xffff  }
0x90: {  	v62 =	vld.idx.msk [tilespmem:v9+s3+$0x0], $0xffff  }
0x91: {  	v6 =	vld.idx.msk [tilespmem:v6+s3+$0x0], $0xffff  }
0x92: {  	v2 =	vld [tilespmem:s18+$0xFFFFFFE0]  }
0x93: {  	[tilespmem:v7+s12+$0x0] =	vst.idx.add.s32.msk $0xffff, v1  }
0x94: {  	v1 =	vld.idx.msk [tilespmem:v8+s3+$0x0], $0xffff  }
0x95: {  	[tilespmem:v63+s12+$0x0] =	vst.idx.add.s32.msk $0xffff, v62  }
0x96: {  	[tilespmem:v11+s12+$0x0] =	vst.idx.add.s32.msk $0xffff, v10  }
0x97: {  	[tilespmem:v12+s12+$0x0] =	vst.idx.add.s32.msk $0xffff, v3  }
0x98: {  	[tilespmem:v13+s12+$0x0] =	vst.idx.add.s32.msk $0xffff, v4  }
0x99: {  	[tilespmem:v14+s12+$0x0] =	vst.idx.add.s32.msk $0xffff, v5  }
0x9a: {  	s19 =	simm.s32 $0xED80;
	s18 =	simm.s32 $0x0;
	[tilespmem:v15+s12+$0x0] =	vst.idx.add.s32.msk $0xffff, v6  }
.LBB2_7:
0x9b: {  	v3 =	vld [tilespmem:s19+$0x70];
	s18 =	sadd.s32 $0x80, s18  }
0x9c: {  	v4 =	vld [tilespmem:s19+$0x10];
	p1 =	slt.u32 s18, $0x380  }
0x9d: {  	v5 =	vld [tilespmem:s19+$0x20]  }
0x9e: {  	v6 =	vld [tilespmem:s19+$0x30]  }
0x9f: {  	v7 =	vld [tilespmem:s19+$0x40]  }
0xa0: {  	v8 =	vld [tilespmem:s19+$0x50]  }
0xa1: {  	v9 =	vld [tilespmem:s19+$0xFFFFFFF0]  }
0xa2: {  	v10 =	vld [tilespmem:s19+$0x60]  }
0xa3: {  	v3 =	vld.idx.msk [tilespmem:v3+s3+$0x0], $0xffff  }
0xa4: {  	v11 =	vld [tilespmem:s19+$0x0]  }
0xa5: {  	v4 =	vld.idx.msk [tilespmem:v4+s3+$0x0], $0xffff  }
0xa6: {  	v5 =	vld.idx.msk [tilespmem:v5+s3+$0x0], $0xffff  }
0xa7: {  	v6 =	vld.idx.msk [tilespmem:v6+s3+$0x0], $0xffff  }
0xa8: {  	v7 =	vld.idx.msk [tilespmem:v7+s3+$0x0], $0xffff  }
0xa9: {  	[tilespmem:v9+s12+$0x0] =	vst.idx.add.s32.msk $0xffff, v3  }
0xaa: {  	v3 =	vld.idx.msk [tilespmem:v8+s3+$0x0], $0xffff  }
0xab: {  	v8 =	vld.idx.msk [tilespmem:v10+s3+$0x0], $0xffff  }
0xac: {  	v9 =	vld.idx.msk [tilespmem:v11+s3+$0x0], $0xffff  }
0xad: {  	v10 =	vld [tilespmem:s19+$0xFFFFFF80]  }
0xae: {  	v11 =	vld [tilespmem:s19+$0xFFFFFF90]  }
0xaf: {  	v12 =	vld [tilespmem:s19+$0xFFFFFFA0]  }
0xb0: {  	v13 =	vld [tilespmem:s19+$0xFFFFFFB0]  }
0xb1: {  	v14 =	vld [tilespmem:s19+$0xFFFFFFC0]  }
0xb2: {  	v15 =	vld [tilespmem:s19+$0xFFFFFFD0]  }
0xb3: {  	v16 =	vld [tilespmem:s19+$0xFFFFFFE0]  }
0xb4: {  	[tilespmem:v2+s12+$0x0] =	vst.idx.add.s32.msk $0xffff, v1;
	v1 =	vmov v8  }
0xb5: {  	[tilespmem:v10+s12+$0x0] =	vst.idx.add.s32.msk $0xffff, v9  }
.Ltmp5:
0xb6: {  	[tilespmem:v11+s12+$0x0] =	vst.idx.add.s32.msk $0xffff, v4;
	(pc) =	sbr.rel @p1 .LBB2_7-.Ltmp5, $4  }
0xb7: {  	[tilespmem:v12+s12+$0x0] =	vst.idx.add.s32.msk $0xffff, v5  }
0xb8: {  	[tilespmem:v13+s12+$0x0] =	vst.idx.add.s32.msk $0xffff, v6;
	v2 =	vmov v16  }
0xb9: {  	[tilespmem:v14+s12+$0x0] =	vst.idx.add.s32.msk $0xffff, v7  }
0xba: {  	s19 =	sadd.s32 $0x100, s19;
	[tilespmem:v15+s12+$0x0] =	vst.idx.add.s32.msk $0xffff, v3  }
.Ltmp6:
0xbb: {  	_ = 	snop;
	(pc) =	sbr.rel .LBB2_8-.Ltmp6, $1  }
0xbc: {  	_ =	sdelay $0x3  }
.LBB2_10:
0xbd: {  	_ =	sfence.sel $0x180000  }
0xbe: {  	[bflag:$0x0] =	sbarrier.arrive $0xFFFF  }
0xbf: {  	p0 =	sne.s32 s0, $0x0;
	_ =	strace $0x90000047  }
0xc0: {  	s0 =	sadd.s32 @!p0 $0x100000, s1;
	[bflag:$0x2] =	sbarrier.arrive $0xFFFF  }
0xc1: {  	[sflag:s0] =	ssyncadd.tile.s32 @!p0 $0x1;
	_ =	shalt  }
.Lfunc_end2:
_tile_overlayer_lowered:
.L_overlay_start_2:
0xc2: {  	(tag) =	ssettag $0x2  }
0xc3: {  	s0 =	rddreg [dreg:$0x0];
	s2 =	stileid.u32  }
0xc4: {  	s1 =	rddreg [dreg:$0x1];
	p0 =	sne.s32 s2, $0x0  }
0xc5: {  	s3 =	rddreg [dreg:$0x2];
	[bflag:$0x3] =	sbarrier.arrive $0xFFFF;
	s2 =	simm.s32 @!p0 $0x1C04  }
0xc6: {  	[timem:s3], [sflag:s2] =	dma.local @!p0 [hbm:s0], s1  }
0xc7: {  	s0 =	simm.s32 @!p0 $0x4  }
0xc8: {  	_ =	swait.ge @!p0 [sflag:s0], s1  }
0xc9: {  	s1 =	ssub.s32 @!p0 $0x0, s1;
	[sflag:s0] =	ssyncset.done @!p0 $0x0  }
0xca: {  	[sflag:s0] =	ssyncadd.s32 @!p0 s1  }
0xcb: {  	[bflag:$0x3] =	sbarrier.arrive $0xFFFF  }
0xcc: {  	_ =	shalt  }

</sc_bundles>
